<compile_context>
chip_gen: v7x
topology: tpu7x:2x2x1
jax: 0.10.2.dev20260603
libtpu: 0.0.44.dev20260713+nightly
codegen_flags: <defaults>
</compile_context>

<pallas_src>
import jax
import jax.numpy as jnp
from jax.experimental import pallas as pl
from jax.experimental.pallas import tpu as pltpu
from jax.experimental.pallas import tpu_sc as plsc

_IDX_ROWS = ((2, 7, 0), (5, 6, 3), (4, 0, 5), (1, 5, 6))


def _body(x_hbm, out_hbm, x_s, out_s):
    pltpu.sync_copy(x_hbm, x_s)
    for r, row in enumerate(_IDX_ROWS):
        for j, c in enumerate(row):
            out_s[r, j] = x_s[r, c]
    pltpu.sync_copy(out_s, out_hbm)


@jax.jit
def kernel(x):
    mesh = plsc.ScalarSubcoreMesh(axis_name="c", num_cores=1)
    return pl.kernel(
        _body,
        out_type=jax.ShapeDtypeStruct((4, 3), jnp.float32),
        mesh=mesh,
        scratch_types=[
            pltpu.SMEM((4, 8), jnp.float32),
            pltpu.SMEM((4, 3), jnp.float32),
        ],
        compiler_params=pltpu.CompilerParams(
            needs_layout_passes=False,
            skip_device_barrier=True,
            disable_bounds_checks=True,
            disable_semaphore_checks=True,
        ),
    )(x)

# --- scband reference (transcript-rebuilt; emitter-appended) ---
"""Pipeline reference for scband-gather-elements-large-test-model-7550552506541 (READ-ONLY COPY).

The authoritative reference and input builder live on the scoring server;
editing this copy changes nothing except your own understanding.
"""

import jax, jax.numpy as jnp
import numpy as np


def setup_inputs(seed: int = 0) -> dict:
    key = jax.random.key(seed)
    x = jax.random.normal(key, (4, 8), dtype=jnp.float32)
    return {"x": x}


def reference(x):
    # Hardcoded indices from the original module; gather along axis=1
    idx = jnp.array([[2, 7, 0], [5, 6, 3], [4, 0, 5], [1, 5, 6]], dtype=jnp.int32)
    return jnp.take_along_axis(x, idx, axis=1)

if __name__ == "__main__":
    import jax
    _d = setup_inputs()
    print(jax.jit(kernel)(*tuple(_d.values())))

</pallas_src>

<mosaic_0001>
#map = affine_map<(d0) -> (0, 0)>
module attributes {stable_mosaic.version = 14 : i64} {
  func.func @_body(%arg0: i32, %arg1: memref<4x8xf32, #tpu.memory_space<hbm>>, %arg2: memref<4x3xf32, #tpu.memory_space<hbm>>, %arg3: memref<4x8xf32, #tpu.memory_space<smem>>, %arg4: memref<4x3xf32, #tpu.memory_space<smem>>) attributes {dimension_semantics = [#tpu.dimension_semantics<core_parallel>], iteration_bounds = array<i64: 1>, scalar_prefetch = 0 : i64, scratch_operands = 2 : i64, tpu.core_type = #tpu.core_type<sc_scalar_subcore>, window_params = [{transform_indices = #map}, {transform_indices = #map}]} {
    "tpu.region"() ({
      %run_scoped3A = tpu.sem_alloc : memref<!tpu.dma_semaphore, #tpu.memory_space<semaphore_mem>>
      tpu.enqueue_dma source(%arg1 : memref<4x8xf32, #tpu.memory_space<hbm>>) target(%arg3 : memref<4x8xf32, #tpu.memory_space<smem>>) target_semaphore(%run_scoped3A : memref<!tpu.dma_semaphore, #tpu.memory_space<semaphore_mem>>)
      tpu.wait_dma2 semaphore(%run_scoped3A : memref<!tpu.dma_semaphore, #tpu.memory_space<semaphore_mem>>) src(%arg1 : memref<4x8xf32, #tpu.memory_space<hbm>>) dst(%arg3 : memref<4x8xf32, #tpu.memory_space<smem>>)
      tpu.yield
    }) : () -> ()
    %get3A = arith.constant 0 : i32
    %get3A_0 = arith.constant 2 : i32
    %get3A_1 = arith.index_cast %get3A : i32 to index
    %get3A_2 = arith.index_cast %get3A_0 : i32 to index
    %get3A_3 = memref.load %arg3[%get3A_1, %get3A_2] : memref<4x8xf32, #tpu.memory_space<smem>>
    %swap3A = arith.constant 0 : i32
    %swap3A_4 = arith.constant 0 : i32
    %swap3A_5 = arith.index_cast %swap3A : i32 to index
    %swap3A_6 = arith.index_cast %swap3A_4 : i32 to index
    %swap3A_7 = memref.load %arg4[%swap3A_5, %swap3A_6] : memref<4x3xf32, #tpu.memory_space<smem>>
    memref.store %get3A_3, %arg4[%swap3A_5, %swap3A_6] : memref<4x3xf32, #tpu.memory_space<smem>>
    %get3A_8 = arith.constant 0 : i32
    %get3A_9 = arith.constant 7 : i32
    %get3A_10 = arith.index_cast %get3A_8 : i32 to index
    %get3A_11 = arith.index_cast %get3A_9 : i32 to index
    %get3A_12 = memref.load %arg3[%get3A_10, %get3A_11] : memref<4x8xf32, #tpu.memory_space<smem>>
    %swap3A_13 = arith.constant 0 : i32
    %swap3A_14 = arith.constant 1 : i32
    %swap3A_15 = arith.index_cast %swap3A_13 : i32 to index
    %swap3A_16 = arith.index_cast %swap3A_14 : i32 to index
    %swap3A_17 = memref.load %arg4[%swap3A_15, %swap3A_16] : memref<4x3xf32, #tpu.memory_space<smem>>
    memref.store %get3A_12, %arg4[%swap3A_15, %swap3A_16] : memref<4x3xf32, #tpu.memory_space<smem>>
    %get3A_18 = arith.constant 0 : i32
    %get3A_19 = arith.constant 0 : i32
    %get3A_20 = arith.index_cast %get3A_18 : i32 to index
    %get3A_21 = arith.index_cast %get3A_19 : i32 to index
    %get3A_22 = memref.load %arg3[%get3A_20, %get3A_21] : memref<4x8xf32, #tpu.memory_space<smem>>
    %swap3A_23 = arith.constant 0 : i32
    %swap3A_24 = arith.constant 2 : i32
    %swap3A_25 = arith.index_cast %swap3A_23 : i32 to index
    %swap3A_26 = arith.index_cast %swap3A_24 : i32 to index
    %swap3A_27 = memref.load %arg4[%swap3A_25, %swap3A_26] : memref<4x3xf32, #tpu.memory_space<smem>>
    memref.store %get3A_22, %arg4[%swap3A_25, %swap3A_26] : memref<4x3xf32, #tpu.memory_space<smem>>
    %get3A_28 = arith.constant 1 : i32
    %get3A_29 = arith.constant 5 : i32
    %get3A_30 = arith.index_cast %get3A_28 : i32 to index
    %get3A_31 = arith.index_cast %get3A_29 : i32 to index
    %get3A_32 = memref.load %arg3[%get3A_30, %get3A_31] : memref<4x8xf32, #tpu.memory_space<smem>>
    %swap3A_33 = arith.constant 1 : i32
    %swap3A_34 = arith.constant 0 : i32
    %swap3A_35 = arith.index_cast %swap3A_33 : i32 to index
    %swap3A_36 = arith.index_cast %swap3A_34 : i32 to index
    %swap3A_37 = memref.load %arg4[%swap3A_35, %swap3A_36] : memref<4x3xf32, #tpu.memory_space<smem>>
    memref.store %get3A_32, %arg4[%swap3A_35, %swap3A_36] : memref<4x3xf32, #tpu.memory_space<smem>>
    %get3A_38 = arith.constant 1 : i32
    %get3A_39 = arith.constant 6 : i32
    %get3A_40 = arith.index_cast %get3A_38 : i32 to index
    %get3A_41 = arith.index_cast %get3A_39 : i32 to index
    %get3A_42 = memref.load %arg3[%get3A_40, %get3A_41] : memref<4x8xf32, #tpu.memory_space<smem>>
    %swap3A_43 = arith.constant 1 : i32
    %swap3A_44 = arith.constant 1 : i32
    %swap3A_45 = arith.index_cast %swap3A_43 : i32 to index
    %swap3A_46 = arith.index_cast %swap3A_44 : i32 to index
    %swap3A_47 = memref.load %arg4[%swap3A_45, %swap3A_46] : memref<4x3xf32, #tpu.memory_space<smem>>
    memref.store %get3A_42, %arg4[%swap3A_45, %swap3A_46] : memref<4x3xf32, #tpu.memory_space<smem>>
    %get3A_48 = arith.constant 1 : i32
    %get3A_49 = arith.constant 3 : i32
    %get3A_50 = arith.index_cast %get3A_48 : i32 to index
    %get3A_51 = arith.index_cast %get3A_49 : i32 to index
    %get3A_52 = memref.load %arg3[%get3A_50, %get3A_51] : memref<4x8xf32, #tpu.memory_space<smem>>
    %swap3A_53 = arith.constant 1 : i32
    %swap3A_54 = arith.constant 2 : i32
    %swap3A_55 = arith.index_cast %swap3A_53 : i32 to index
    %swap3A_56 = arith.index_cast %swap3A_54 : i32 to index
    %swap3A_57 = memref.load %arg4[%swap3A_55, %swap3A_56] : memref<4x3xf32, #tpu.memory_space<smem>>
    memref.store %get3A_52, %arg4[%swap3A_55, %swap3A_56] : memref<4x3xf32, #tpu.memory_space<smem>>
    %get3A_58 = arith.constant 2 : i32
    %get3A_59 = arith.constant 4 : i32
    %get3A_60 = arith.index_cast %get3A_58 : i32 to index
    %get3A_61 = arith.index_cast %get3A_59 : i32 to index
    %get3A_62 = memref.load %arg3[%get3A_60, %get3A_61] : memref<4x8xf32, #tpu.memory_space<smem>>
    %swap3A_63 = arith.constant 2 : i32
    %swap3A_64 = arith.constant 0 : i32
    %swap3A_65 = arith.index_cast %swap3A_63 : i32 to index
    %swap3A_66 = arith.index_cast %swap3A_64 : i32 to index
    %swap3A_67 = memref.load %arg4[%swap3A_65, %swap3A_66] : memref<4x3xf32, #tpu.memory_space<smem>>
    memref.store %get3A_62, %arg4[%swap3A_65, %swap3A_66] : memref<4x3xf32, #tpu.memory_space<smem>>
    %get3A_68 = arith.constant 2 : i32
    %get3A_69 = arith.constant 0 : i32
    %get3A_70 = arith.index_cast %get3A_68 : i32 to index
    %get3A_71 = arith.index_cast %get3A_69 : i32 to index
    %get3A_72 = memref.load %arg3[%get3A_70, %get3A_71] : memref<4x8xf32, #tpu.memory_space<smem>>
    %swap3A_73 = arith.constant 2 : i32
    %swap3A_74 = arith.constant 1 : i32
    %swap3A_75 = arith.index_cast %swap3A_73 : i32 to index
    %swap3A_76 = arith.index_cast %swap3A_74 : i32 to index
    %swap3A_77 = memref.load %arg4[%swap3A_75, %swap3A_76] : memref<4x3xf32, #tpu.memory_space<smem>>
    memref.store %get3A_72, %arg4[%swap3A_75, %swap3A_76] : memref<4x3xf32, #tpu.memory_space<smem>>
    %get3A_78 = arith.constant 2 : i32
    %get3A_79 = arith.constant 5 : i32
    %get3A_80 = arith.index_cast %get3A_78 : i32 to index
    %get3A_81 = arith.index_cast %get3A_79 : i32 to index
    %get3A_82 = memref.load %arg3[%get3A_80, %get3A_81] : memref<4x8xf32, #tpu.memory_space<smem>>
    %swap3A_83 = arith.constant 2 : i32
    %swap3A_84 = arith.constant 2 : i32
    %swap3A_85 = arith.index_cast %swap3A_83 : i32 to index
    %swap3A_86 = arith.index_cast %swap3A_84 : i32 to index
    %swap3A_87 = memref.load %arg4[%swap3A_85, %swap3A_86] : memref<4x3xf32, #tpu.memory_space<smem>>
    memref.store %get3A_82, %arg4[%swap3A_85, %swap3A_86] : memref<4x3xf32, #tpu.memory_space<smem>>
    %get3A_88 = arith.constant 3 : i32
    %get3A_89 = arith.constant 1 : i32
    %get3A_90 = arith.index_cast %get3A_88 : i32 to index
    %get3A_91 = arith.index_cast %get3A_89 : i32 to index
    %get3A_92 = memref.load %arg3[%get3A_90, %get3A_91] : memref<4x8xf32, #tpu.memory_space<smem>>
    %swap3A_93 = arith.constant 3 : i32
    %swap3A_94 = arith.constant 0 : i32
    %swap3A_95 = arith.index_cast %swap3A_93 : i32 to index
    %swap3A_96 = arith.index_cast %swap3A_94 : i32 to index
    %swap3A_97 = memref.load %arg4[%swap3A_95, %swap3A_96] : memref<4x3xf32, #tpu.memory_space<smem>>
    memref.store %get3A_92, %arg4[%swap3A_95, %swap3A_96] : memref<4x3xf32, #tpu.memory_space<smem>>
    %get3A_98 = arith.constant 3 : i32
    %get3A_99 = arith.constant 5 : i32
    %get3A_100 = arith.index_cast %get3A_98 : i32 to index
    %get3A_101 = arith.index_cast %get3A_99 : i32 to index
    %get3A_102 = memref.load %arg3[%get3A_100, %get3A_101] : memref<4x8xf32, #tpu.memory_space<smem>>
    %swap3A_103 = arith.constant 3 : i32
    %swap3A_104 = arith.constant 1 : i32
    %swap3A_105 = arith.index_cast %swap3A_103 : i32 to index
    %swap3A_106 = arith.index_cast %swap3A_104 : i32 to index
    %swap3A_107 = memref.load %arg4[%swap3A_105, %swap3A_106] : memref<4x3xf32, #tpu.memory_space<smem>>
    memref.store %get3A_102, %arg4[%swap3A_105, %swap3A_106] : memref<4x3xf32, #tpu.memory_space<smem>>
    %get3A_108 = arith.constant 3 : i32
    %get3A_109 = arith.constant 6 : i32
    %get3A_110 = arith.index_cast %get3A_108 : i32 to index
    %get3A_111 = arith.index_cast %get3A_109 : i32 to index
    %get3A_112 = memref.load %arg3[%get3A_110, %get3A_111] : memref<4x8xf32, #tpu.memory_space<smem>>
    %swap3A_113 = arith.constant 3 : i32
    %swap3A_114 = arith.constant 2 : i32
    %swap3A_115 = arith.index_cast %swap3A_113 : i32 to index
    %swap3A_116 = arith.index_cast %swap3A_114 : i32 to index
    %swap3A_117 = memref.load %arg4[%swap3A_115, %swap3A_116] : memref<4x3xf32, #tpu.memory_space<smem>>
    memref.store %get3A_112, %arg4[%swap3A_115, %swap3A_116] : memref<4x3xf32, #tpu.memory_space<smem>>
    "tpu.region"() ({
      %run_scoped3A = tpu.sem_alloc : memref<!tpu.dma_semaphore, #tpu.memory_space<semaphore_mem>>
      tpu.enqueue_dma source(%arg4 : memref<4x3xf32, #tpu.memory_space<smem>>) target(%arg2 : memref<4x3xf32, #tpu.memory_space<hbm>>) target_semaphore(%run_scoped3A : memref<!tpu.dma_semaphore, #tpu.memory_space<semaphore_mem>>)
      tpu.wait_dma2 semaphore(%run_scoped3A : memref<!tpu.dma_semaphore, #tpu.memory_space<semaphore_mem>>) src(%arg4 : memref<4x3xf32, #tpu.memory_space<smem>>) dst(%arg2 : memref<4x3xf32, #tpu.memory_space<hbm>>)
      tpu.yield
    }) : () -> ()
    return
  }
}

</mosaic_0001>

<sc_bundles>
// kernel: kernel.3.cloned.1.call-start
scs
__scs_entry_jumppad:
0x0: {  	(pc) =	sbr.rel $0x88, $3  }
0x1: {  	(tag) =	ssettag $0x0;
	lr =	simm.s32 $0x1  }
0x2: {  	[smem:$0x3FA0] =	sst lr;
	_ =	strace $0xD0000000  }
0x3: {  	_ = 	snop  }
0x4: {  	_ = 	snop  }
0x5: {  	_ = 	snop  }
0x6: {  	_ = 	snop  }
0x7: {  	_ = 	snop  }
__scs_overlays_trampoline_lowered:
0x8: {  	[smem:$0x3FAF] =	sst s0  }
0x9: {  	[smem:$0x3FB0] =	sst s1  }
0xa: {  	[smem:$0x3FB1] =	sst s2  }
0xb: {  	[smem:$0x3FB2] =	sst s3  }
0xc: {  	[smem:$0x3FB3] =	sst s4  }
0xd: {  	[smem:$0x3FB4] =	sst s5  }
0xe: {  	[smem:$0x3FB5] =	sst s6  }
0xf: {  	[smem:$0x3FB6] =	sst s7  }
0x10: {  	[smem:$0x3FB7] =	sst s8  }
0x11: {  	[smem:$0x3FB8] =	sst s9;
	s0 =	simm.s32 @!p0 $0x0  }
0x12: {  	s1 =	sld [smem:$0x3F9E];
	s0 =	simm.s32 @p0 $0x1  }
0x13: {  	[smem:$0x3FB9] =	sst s0;
	s0 =	simm.s32 @!p1 $0x0  }
0x14: {  	s2 =	sld [smem:$0x3F9D];
	s0 =	simm.s32 @p1 $0x1  }
0x15: {  	[smem:$0x3FBA] =	sst s0;
	s0 =	simm.s32 @!p2 $0x0  }
0x16: {  	s3 =	sld [smem:$0x3FDB];
	s0 =	simm.s32 @p2 $0x1  }
0x17: {  	s4 =	simm.s32 $0x1BF5;
	[smem:$0x3FBC] =	sst s0  }
0x18: {  	s0 =	sld [smem:$0x3F9F];
	_ =	swait.ge [sflag:s4], $0x0  }
0x19: {  	s7 =	sld [smem:$0x3FA0]  }
0x1a: {  	s8 =	sadd.s32 $0xFFFFE003, lr  }
0x1b: {  	s9 =	sadd.s32 $0xFFFFFEF7, lr;
	s5 =	simm.s32 $0xFFFFFFFF;
	p2 =	slt.u32 s8, $0xFFFFF086  }
0x1c: {  	p1 =	slt.u32 s9, $0xF7A;
	s5 =	simm.s32 @!p2 $0x0  }
0x1d: {  	s5 =	simm.s32 @p1 $0x1;
	p0 =	seq.s32 s7, s2  }
0x1e: {  	s7 =	smul.u32 @!p0 $0xF7A, s2;
	p2 =	seq.s32 @!p0 s5, $0x0  }
0x1f: {  	s9 =	smul.u32 $0xF7A, s1;
	s8 =	simm.s32 @!p0 $0x1BF5;
	p2 =	por !p2, p0  }
0x20: {  	[sflag:s8] =	ssyncset.s32 @!p0 $0xFFFFF086;
	s6 =	sadd.s32 @!p0 s3, s7;
	s7 =	simm.s32 @!p0 $0x108  }
0x21: {  	s3 =	sadd.s32 s3, s9;
	s6 =	sadd.s32 @!p0 $0x88, s6;
	s7 =	simm.s32 @p2 $0x1082  }
0x22: {  	[simem:s7], [sflag:s8] =	dma.local @!p0 [hbm:s6], $0xF7A  }
0x23: {  	s9 =	sor.u32 $0xD0000000, s2;
	s6 =	simm.s32 $0x108;
	_ =	swait.ge @!p0 [sflag:s8], $0x0  }
0x24: {  	s3 =	sadd.s32 $0x88, s3;
	s6 =	simm.s32 @!p1 $0x1082;
	[sflag:s4] =	ssyncset.s32 $0xFFFFF086  }
0x25: {  	[simem:s6], [sflag:s4] =	dma.local [hbm:s3], $0xF7A  }
0x26: {  	[smem:$0x3FA0] =	sst s1;
	(tag) =	ssettag s2;
	_ =	strace s9  }
0x27: {  	s1 =	sld [smem:$0x3FB0]  }
0x28: {  	s2 =	sld [smem:$0x3FB1]  }
0x29: {  	s4 =	sld [smem:$0x3FB3]  }
0x2a: {  	p0 =	seq.s32 s5, $0x0;
	s5 =	sld [smem:$0x3FB4]  }
0x2b: {  	s6 =	sld [smem:$0x3FB5]  }
0x2c: {  	s7 =	sld [smem:$0x3FB6]  }
0x2d: {  	s3 =	simm.s32 $0x108;
	s8 =	sld [smem:$0x3FB7]  }
0x2e: {  	s3 =	simm.s32 @!p0 $0x1082;
	s9 =	sld [smem:$0x3FB8]  }
0x2f: {  	lr =	sadd.s32 s0, s3;
	s0 =	sld [smem:$0x3FAF]  }
0x30: {  	s3 =	sld [smem:$0x3FB2]  }
0x31: {  	[smem:$0x3FBB] =	sst s10  }
0x32: {  	s10 =	sld [smem:$0x3FB9];
	_ =	sdelay $0x3  }
0x33: {  	p0 =	seq.s32 s10, $0x1;
	s10 =	sld [smem:$0x3FBB];
	_ =	sdelay $0x3  }
0x34: {  	[smem:$0x3FBB] =	sst s10  }
0x35: {  	s10 =	sld [smem:$0x3FBA];
	_ =	sdelay $0x3  }
0x36: {  	p1 =	seq.s32 s10, $0x1;
	s10 =	sld [smem:$0x3FBB];
	_ =	sdelay $0x3  }
0x37: {  	[smem:$0x3FBB] =	sst s10  }
0x38: {  	s10 =	sld [smem:$0x3FBC]  }
0x39: {  	_ = 	snop;
	(pc) =	sbr.ind lr, $3  }
0x3a: {  	_ = 	snop  }
0x3b: {  	_ = 	snop  }
0x3c: {  	p2 =	seq.s32 s10, $0x1;
	s10 =	sld [smem:$0x3FBB]  }
0x3d: {  	_ =	shalt  }
0x3e: {  	_ =	shalt  }
0x3f: {  	_ =	shalt  }
0x40: {  	_ =	shalt  }
0x41: {  	_ =	shalt  }
0x42: {  	_ =	shalt  }
0x43: {  	_ =	shalt  }
0x44: {  	_ =	shalt  }
0x45: {  	_ =	shalt  }
0x46: {  	_ =	shalt  }
0x47: {  	_ =	shalt  }
0x48: {  	_ =	shalt  }
0x49: {  	_ =	shalt  }
0x4a: {  	_ =	shalt  }
0x4b: {  	_ =	shalt  }
0x4c: {  	_ =	shalt  }
0x4d: {  	_ =	shalt  }
0x4e: {  	_ =	shalt  }
0x4f: {  	_ =	shalt  }
0x50: {  	_ =	shalt  }
0x51: {  	_ =	shalt  }
0x52: {  	_ =	shalt  }
0x53: {  	_ =	shalt  }
0x54: {  	_ =	shalt  }
0x55: {  	_ =	shalt  }
0x56: {  	_ =	shalt  }
0x57: {  	_ =	shalt  }
0x58: {  	_ =	shalt  }
0x59: {  	_ =	shalt  }
0x5a: {  	_ =	shalt  }
0x5b: {  	_ =	shalt  }
0x5c: {  	_ =	shalt  }
0x5d: {  	_ =	shalt  }
0x5e: {  	_ =	shalt  }
0x5f: {  	_ =	shalt  }
0x60: {  	_ =	shalt  }
0x61: {  	_ =	shalt  }
0x62: {  	_ =	shalt  }
0x63: {  	_ =	shalt  }
0x64: {  	_ =	shalt  }
0x65: {  	_ =	shalt  }
0x66: {  	_ =	shalt  }
0x67: {  	_ =	shalt  }
0x68: {  	_ =	shalt  }
0x69: {  	_ =	shalt  }
0x6a: {  	_ =	shalt  }
0x6b: {  	_ =	shalt  }
0x6c: {  	_ =	shalt  }
0x6d: {  	_ =	shalt  }
0x6e: {  	_ =	shalt  }
0x6f: {  	_ =	shalt  }
0x70: {  	_ =	shalt  }
0x71: {  	_ =	shalt  }
0x72: {  	_ =	shalt  }
0x73: {  	_ =	shalt  }
0x74: {  	_ =	shalt  }
0x75: {  	_ =	shalt  }
0x76: {  	_ =	shalt  }
0x77: {  	_ =	shalt  }
0x78: {  	_ =	shalt  }
0x79: {  	_ =	shalt  }
0x7a: {  	_ =	shalt  }
0x7b: {  	_ =	shalt  }
0x7c: {  	_ =	shalt  }
0x7d: {  	_ =	shalt  }
0x7e: {  	_ =	shalt  }
0x7f: {  	_ =	shalt  }
0x80: {  	_ =	shalt  }
0x81: {  	_ =	shalt  }
0x82: {  	_ =	shalt  }
0x83: {  	_ =	shalt  }
0x84: {  	_ =	shalt  }
0x85: {  	_ =	shalt  }
0x86: {  	_ =	shalt  }
0x87: {  	_ =	shalt  }
.Lfunc_end0:
.L_simem_size_0:
called_computation_lowered:
.L_overlay_start_0:
0x88: {  	s0 =	sld [smem:$0x3FD9]  }
0x89: {  	s1 =	sld [smem:$0x3FFE];
	_ =	sdelay $0x3  }
0x8a: {  	s0 =	sadd.s32 s1, s0  }
0x8b: {  	[smem:$0x3FC7] =	sst s0  }
0x8c: {  	_ = 	snop  }
0x8d: {  	s0 =	sld [smem:$0x3FC9]  }
0x8e: {  	s21 =	sld [smem:$0x3FD0];
	(tm) =	ssettm $0x1  }
0x8f: {  	s2 =	sld [smem:$0x3FFB];
	_ =	sdelay $0x3  }
0x90: {  	_ =	strace s2  }
0x91: {  	s2 =	sld [smem:$0x3FFC];
	_ =	sdelay $0x3  }
0x92: {  	_ =	strace s2  }
0x93: {  	s2 =	sld [smem:$0x3FFD];
	_ =	sdelay $0x3  }
0x94: {  	_ =	strace s2  }
0x95: {  	s22 =	simm.s32 $0x1B8B;
	_ =	strace $0x8FFFFFFF  }
0x96: {  	_ =	swait.ge [sflag:s22], $0x1  }
0x97: {  	[sflag:s22] =	ssyncset.done $0x0  }
0x98: {  	s23 =	simm.s32 $0x1B8E;
	[sflag:s22] =	ssyncadd.s32 $0xFFFFFFFF  }
0x99: {  	[smem:$0x3FD2] =	sst s23  }
0x9a: {  	s24 =	simm.s32 $0x9;
	s3 =	simm.s32 $0x10;
	_ =	strace $0x80000046  }
0x9b: {  	[smem:s3], [sflag:s24] =	dma.local [hbm:s0], $0x40  }
0x9c: {  	_ =	swait.ge [sflag:s24], $0x40  }
0x9d: {  	[sflag:s24] =	ssyncset.done $0x0  }
0x9e: {  	[sflag:s24] =	ssyncadd.s32 $0xFFFFFFC0  }
0x9f: {  	s25 =	sld [smem:$0x12];
	_ =	sdelay $0x3  }
0xa0: {  	[smem:$0x210] =	sst s25  }
0xa1: {  	s0 =	sld [smem:$0x17];
	_ =	sdelay $0x3  }
0xa2: {  	[smem:$0x211] =	sst s0  }
0xa3: {  	s0 =	sld [smem:$0x10];
	_ =	sdelay $0x3  }
0xa4: {  	[smem:$0x212] =	sst s0  }
0xa5: {  	s0 =	sld [smem:$0x95];
	_ =	sdelay $0x3  }
0xa6: {  	[smem:$0x290] =	sst s0  }
0xa7: {  	s0 =	sld [smem:$0x96];
	_ =	sdelay $0x3  }
0xa8: {  	[smem:$0x291] =	sst s0  }
0xa9: {  	s0 =	sld [smem:$0x93];
	_ =	sdelay $0x3  }
0xaa: {  	[smem:$0x292] =	sst s0  }
0xab: {  	s0 =	sld [smem:$0x114];
	_ =	sdelay $0x3  }
0xac: {  	[smem:$0x310] =	sst s0  }
0xad: {  	s0 =	sld [smem:$0x110];
	_ =	sdelay $0x3  }
0xae: {  	[smem:$0x311] =	sst s0  }
0xaf: {  	s0 =	sld [smem:$0x115];
	_ =	sdelay $0x3  }
0xb0: {  	[smem:$0x312] =	sst s0  }
0xb1: {  	s0 =	sld [smem:$0x191];
	_ =	sdelay $0x3  }
0xb2: {  	[smem:$0x390] =	sst s0  }
0xb3: {  	s0 =	sld [smem:$0x195];
	_ =	sdelay $0x3  }
0xb4: {  	[smem:$0x391] =	sst s0  }
0xb5: {  	s0 =	sld [smem:$0x196];
	_ =	sdelay $0x3  }
0xb6: {  	s26 =	simm.s32 $0x210;
	[smem:$0x392] =	sst s0  }
0xb7: {  	[hbm:s21], [sflag:s24] =	dma.local [smem:s26], $0x40  }
0xb8: {  	_ =	swait.ge [sflag:s24], $0x40  }
0xb9: {  	[sflag:s24] =	ssyncset.done $0x0  }
0xba: {  	[sflag:s24] =	ssyncadd.s32 $0xFFFFFFC0  }
0xbb: {  	_ =	strace $0x90000046  }
0xbc: {  	_ =	sfence  }
0xbd: {  	s28 =	sld [smem:$0x0];
	_ =	sdelay $0x1  }
0xbe: {  	s29 =	srdreg.scid  }
0xbf: {  	s30 =	sshll.u32 s29, $0xD;
	s31 =	sshrl.u32 s29, $0x2  }
0xc0: {  	s1 =	sand.u32 $0x1, s29;
	s2 =	sand.u32 $0x4000, s30;
	s0 =	sadd.s32 s31, s28  }
0xc1: {  	s1 =	sor.u32 s2, s1;
	s0 =	sshll.u32 s0, $0x11  }
0xc2: {  	s0 =	sor.u32 s0, s1  }
0xc3: {  	s0 =	sadd.s32 $0x8F2B, s0;
	(pc) =	sbr.abs _section_cstart, $3  }
0xc4: {  	[sflag:s0] =	ssyncadd.remote.s32 $0x1  }
0xc5: {  	_ =	strace $0x9FFFFFFF  }
0xc6: {  	(tm) =	ssettm $0x7FFFFFFF  }
0xc7: {  	_ =	shalt  }

</sc_bundles>
